<compile_context>
chip_gen: v7x
topology: tpu7x:2x2x1
jax: 0.10.2.dev20260603
libtpu: 0.0.44.dev20260713+nightly
codegen_flags: <defaults>
</compile_context>

<pallas_src>
import functools

import jax
import jax.numpy as jnp
from jax import lax
from jax.experimental import pallas as pl
from jax.experimental.pallas import tpu as pltpu
from jax.experimental.pallas import tpu_sc as plsc

_B = 4096
_L = 200
_H = 128
_NC = 2
_NS = 16
_NW = _NC * _NS
_EPW = _B // _NW
_HC = 100


def _sc_embed(ids2, table):
    mesh = plsc.VectorSubcoreMesh(core_axis_name="c", subcore_axis_name="s")

    @functools.partial(
        pl.kernel,
        mesh=mesh,
        out_type=[
            jax.ShapeDtypeStruct((_B * _L, _H), jnp.float32),
            jax.ShapeDtypeStruct((_B, _H), jnp.float32),
        ],
        scratch_types=[
            pltpu.VMEM((2 * _EPW, _HC), jnp.int32),
            pltpu.VMEM((3 * _L, _H), jnp.float32),
            pltpu.VMEM((_EPW, _H), jnp.float32),
            pltpu.SemaphoreType.DMA,
            pltpu.SemaphoreType.DMA,
        ],
    )
    def k(ids_hbm, table_hbm, emb_hbm, pooled_hbm, idx_v, rows_v, pool_v,
          gsem, wsem):
        c = lax.axis_index("c")
        s = lax.axis_index("s")
        wid = s * _NC + c
        e0 = wid * _EPW

        pltpu.sync_copy(ids_hbm.at[pl.ds(e0 * 2, 2 * _EPW)], idx_v)

        def fire_gather(e, off):
            pltpu.async_copy(table_hbm.at[idx_v.at[2 * e]],
                             rows_v.at[pl.ds(off, _HC)], gsem)
            pltpu.async_copy(table_hbm.at[idx_v.at[2 * e + 1]],
                             rows_v.at[pl.ds(off + _HC, _HC)], gsem)

        def drain_gather():
            pltpu.make_async_copy(emb_hbm.at[pl.ds(0, _L)],
                                  rows_v.at[pl.ds(0, _L)], gsem).wait()

        def fire_wb(e, off):
            pltpu.async_copy(rows_v.at[pl.ds(off, _L)],
                             emb_hbm.at[pl.ds((e0 + e) * _L, _L)], wsem)

        def drain_wb():
            pltpu.make_async_copy(rows_v.at[pl.ds(0, _L)],
                                  emb_hbm.at[pl.ds(0, _L)], wsem).wait()

        def compute(e, off):
            def row_sum(i, acc):
                r = off + i * 8
                for u in range(8):
                    acc = tuple(
                        acc[j] + rows_v[r + u, pl.ds(j * 16, 16)]
                        for j in range(8))
                return acc

            acc = lax.fori_loop(
                0, _L // 8, row_sum,
                tuple(jnp.zeros((16,), jnp.float32) for _ in range(8)))
            for j in range(8):
                pool_v[e, pl.ds(j * 16, 16)] = acc[j] * (1.0 / _L)

        def body(e, carry):
            off = (e % 3) * _L

            @pl.when(e >= 1)
            def _():
                drain_wb()

            fire_wb(e, off)
            return carry

        lax.fori_loop(0, _EPW, body, 0)

        drain_wb()
        pltpu.sync_copy(pool_v, pooled_hbm.at[pl.ds(e0, _EPW)])

    return k(ids2, table)


def kernel(concept_ids, table):
    ids2 = concept_ids.reshape(_B * 2, _HC).astype(jnp.int32)
    emb, pooled = _sc_embed(ids2, table)
    embedded = emb.reshape(_B, _L, _H)
    pooled = pooled.reshape(_B, 1, _H)
    return (pooled, embedded)

# --- scband reference (transcript-rebuilt; emitter-appended) ---
"""Pipeline reference for scband-graph-encoder-21749714387421 (READ-ONLY COPY).

The authoritative reference and input builder live on the scoring server;
editing this copy changes nothing except your own understanding.
"""

import jax, jax.numpy as jnp
import numpy as np

NUM_CONCEPTS = 100000
HIDDEN_SIZE = 128
BATCH = 4096
CONCEPTS_PER_EX = 200


def setup_inputs(seed: int = 0) -> dict:
    key = jax.random.key(seed)
    k_idx, k_tab = jax.random.split(key)
    concept_ids = jax.random.randint(k_idx, (BATCH, CONCEPTS_PER_EX), 0, NUM_CONCEPTS, dtype=jnp.int64 if jax.config.read('jax_enable_x64') else jnp.int32)
    table = jax.random.normal(k_tab, (NUM_CONCEPTS, HIDDEN_SIZE), dtype=jnp.float32)
    return {"concept_ids": concept_ids, "table": table}


def reference(concept_ids, table):
    # nn.Embedding lookup -> gather rows of the table
    embedded = jnp.take(table, concept_ids, axis=0)  # (B, L, H)
    # mean over the concepts-per-example dim, keepdim=True
    pooled = jnp.mean(embedded, axis=1, keepdims=True)  # (B, 1, H)
    return (pooled, embedded)

if __name__ == "__main__":
    import jax
    _d = setup_inputs()
    print(jax.jit(kernel)(*tuple(_d.values())))

</pallas_src>

<mosaic_0001>
#map = affine_map<(d0, d1) -> (0, 0)>
module attributes {stable_mosaic.version = 14 : i64} {
  func.func @k(%arg0: i32, %arg1: i32, %arg2: memref<8192x100xi32, #tpu.memory_space<hbm>>, %arg3: memref<100000x128xf32, #tpu.memory_space<hbm>>, %arg4: memref<819200x128xf32, #tpu.memory_space<hbm>>, %arg5: memref<4096x128xf32, #tpu.memory_space<hbm>>, %arg6: memref<256x100xi32, #tpu.memory_space<vmem>>, %arg7: memref<600x128xf32, #tpu.memory_space<vmem>>, %arg8: memref<128x128xf32, #tpu.memory_space<vmem>>, %arg9: memref<!tpu.dma_semaphore, #tpu.memory_space<semaphore_mem>>, %arg10: memref<!tpu.dma_semaphore, #tpu.memory_space<semaphore_mem>>) attributes {dimension_semantics = [#tpu.dimension_semantics<core_parallel>, #tpu.dimension_semantics<subcore_parallel>], iteration_bounds = array<i64: 2, 16>, scalar_prefetch = 0 : i64, scratch_operands = 5 : i64, tpu.core_type = #tpu.core_type<sc_vector_subcore>, window_params = [{transform_indices = #map}, {transform_indices = #map}, {transform_indices = #map}, {transform_indices = #map}]} {
    %mul3A = arith.constant 2 : i32
    %mul3A_0 = arith.muli %arg1, %mul3A : i32
    %add3A = arith.addi %mul3A_0, %arg0 : i32
    %mul3A_1 = arith.constant 128 : i32
    %mul3A_2 = arith.muli %add3A, %mul3A_1 : i32
    %mul3A_3 = arith.constant 2 : i32
    %mul3A_4 = arith.muli %mul3A_2, %mul3A_3 : i32
    "tpu.region"() ({
      %run_scoped3A = tpu.sem_alloc : memref<!tpu.dma_semaphore, #tpu.memory_space<semaphore_mem>>
      %dma_start3A = arith.constant 0 : i32
      %dma_start3A_21 = tpu.memref_slice %arg2[%mul3A_4, %dma_start3A] : memref<8192x100xi32, #tpu.memory_space<hbm>> -> memref<256x100xi32, #tpu.memory_space<hbm>>
      %dma_start3A_22 = arith.constant 0 : i32
      %dma_start3A_23 = tpu.memref_slice %arg2[%mul3A_4, %dma_start3A_22] : memref<8192x100xi32, #tpu.memory_space<hbm>> -> memref<256x100xi32, #tpu.memory_space<hbm>>
      tpu.enqueue_dma source(%dma_start3A_23 : memref<256x100xi32, #tpu.memory_space<hbm>>) target(%arg6 : memref<256x100xi32, #tpu.memory_space<vmem>>) target_semaphore(%run_scoped3A : memref<!tpu.dma_semaphore, #tpu.memory_space<semaphore_mem>>)
      %dma_wait3A_24 = arith.constant 0 : i32
      %dma_wait3A_25 = tpu.memref_slice %arg2[%mul3A_4, %dma_wait3A_24] : memref<8192x100xi32, #tpu.memory_space<hbm>> -> memref<256x100xi32, #tpu.memory_space<hbm>>
      %dma_wait3A_26 = arith.constant 0 : i32
      %dma_wait3A_27 = tpu.memref_slice %arg2[%mul3A_4, %dma_wait3A_26] : memref<8192x100xi32, #tpu.memory_space<hbm>> -> memref<256x100xi32, #tpu.memory_space<hbm>>
      tpu.wait_dma2 semaphore(%run_scoped3A : memref<!tpu.dma_semaphore, #tpu.memory_space<semaphore_mem>>) src(%dma_wait3A_27 : memref<256x100xi32, #tpu.memory_space<hbm>>) dst(%arg6 : memref<256x100xi32, #tpu.memory_space<vmem>>)
      tpu.yield
    }) : () -> ()
    %scan3A = arith.constant 0 : i32
    %scan3A_5 = arith.constant 0 : i32
    %scan3A_6 = arith.constant 128 : i32
    %scan3A_7 = arith.addi %scan3A_5, %scan3A_6 : i32
    %scan3A_8 = arith.constant 1 : i32
    scf.for %scan3A_21 = %scan3A_5 to %scan3A_7 step %scan3A_8  : i32 {
      %jit3A = arith.constant 3 : i32
      %eq3A = arith.constant 0 : i32
      %eq3A_22 = arith.cmpi eq, %jit3A, %eq3A : i32
      %jit3A_23 = arith.constant 1 : i32
      %select_n3A = arith.select %eq3A_22, %jit3A_23, %jit3A : i32
      %rem3A = arith.remsi %scan3A_21, %select_n3A : i32
      %ne3A = arith.constant 0 : i32
      %ne3A_24 = arith.cmpi ne, %rem3A, %ne3A : i32
      %lt3A = arith.constant 0 : i32
      %lt3A_25 = arith.cmpi slt, %rem3A, %lt3A : i32
      %lt3A_26 = arith.constant 0 : i32
      %lt3A_27 = arith.cmpi slt, %select_n3A, %lt3A_26 : i32
      %ne3A_28 = arith.xori %lt3A_25, %lt3A_27 : i1
      %and3A = arith.andi %ne3A_28, %ne3A_24 : i1
      %add3A_29 = arith.addi %rem3A, %select_n3A : i32
      %select_n3A_30 = arith.select %and3A, %add3A_29, %rem3A : i32
      %mul3A_31 = arith.constant 200 : i32
      %mul3A_32 = arith.muli %select_n3A_30, %mul3A_31 : i32
      %ge3A = arith.constant 1 : i32
      %ge3A_33 = arith.cmpi sge, %scan3A_21, %ge3A : i32
      %convert_element_type3A = arith.extui %ge3A_33 : i1 to i32
      %cond3A = arith.constant 0 : i32
      %cond3A_34 = arith.cmpi ne, %convert_element_type3A, %cond3A : i32
      scf.if %cond3A_34 {
        %dma_wait3A_45 = arith.constant 0 : i32
        %dma_wait3A_46 = arith.constant 0 : i32
        %dma_wait3A_47 = tpu.memref_slice %arg7[%dma_wait3A_45, %dma_wait3A_46] : memref<600x128xf32, #tpu.memory_space<vmem>> -> memref<200x128xf32, #tpu.memory_space<vmem>>
        %dma_wait3A_48 = arith.constant 0 : i32
        %dma_wait3A_49 = arith.constant 0 : i32
        %dma_wait3A_50 = tpu.memref_slice %arg4[%dma_wait3A_48, %dma_wait3A_49] : memref<819200x128xf32, #tpu.memory_space<hbm>> -> memref<200x128xf32, #tpu.memory_space<hbm>>
        %dma_wait3A_51 = arith.constant 0 : i32
        %dma_wait3A_52 = arith.constant 0 : i32
        %dma_wait3A_53 = tpu.memref_slice %arg4[%dma_wait3A_51, %dma_wait3A_52] : memref<819200x128xf32, #tpu.memory_space<hbm>> -> memref<200x128xf32, #tpu.memory_space<hbm>>
        %dma_wait3A_54 = arith.constant 0 : i32
        %dma_wait3A_55 = arith.constant 0 : i32
        %dma_wait3A_56 = tpu.memref_slice %arg7[%dma_wait3A_54, %dma_wait3A_55] : memref<600x128xf32, #tpu.memory_space<vmem>> -> memref<200x128xf32, #tpu.memory_space<vmem>>
        tpu.wait_dma2 semaphore(%arg10 : memref<!tpu.dma_semaphore, #tpu.memory_space<semaphore_mem>>) src(%dma_wait3A_56 : memref<200x128xf32, #tpu.memory_space<vmem>>) dst(%dma_wait3A_53 : memref<200x128xf32, #tpu.memory_space<hbm>>)
      } else {
      }
      %add3A_35 = arith.addi %mul3A_2, %scan3A_21 : i32
      %mul3A_36 = arith.constant 200 : i32
      %mul3A_37 = arith.muli %add3A_35, %mul3A_36 : i32
      %dma_start3A = arith.constant 0 : i32
      %dma_start3A_38 = tpu.memref_slice %arg7[%mul3A_32, %dma_start3A] : memref<600x128xf32, #tpu.memory_space<vmem>> -> memref<200x128xf32, #tpu.memory_space<vmem>>
      %dma_start3A_39 = arith.constant 0 : i32
      %dma_start3A_40 = tpu.memref_slice %arg4[%mul3A_37, %dma_start3A_39] : memref<819200x128xf32, #tpu.memory_space<hbm>> -> memref<200x128xf32, #tpu.memory_space<hbm>>
      %dma_start3A_41 = arith.constant 0 : i32
      %dma_start3A_42 = tpu.memref_slice %arg4[%mul3A_37, %dma_start3A_41] : memref<819200x128xf32, #tpu.memory_space<hbm>> -> memref<200x128xf32, #tpu.memory_space<hbm>>
      %dma_start3A_43 = arith.constant 0 : i32
      %dma_start3A_44 = tpu.memref_slice %arg7[%mul3A_32, %dma_start3A_43] : memref<600x128xf32, #tpu.memory_space<vmem>> -> memref<200x128xf32, #tpu.memory_space<vmem>>
      tpu.enqueue_dma source(%dma_start3A_44 : memref<200x128xf32, #tpu.memory_space<vmem>>) target(%dma_start3A_42 : memref<200x128xf32, #tpu.memory_space<hbm>>) target_semaphore(%arg10 : memref<!tpu.dma_semaphore, #tpu.memory_space<semaphore_mem>>)
    }
    %scan3A_9 = arith.constant 128 : i32
    %dma_wait3A = arith.constant 0 : i32
    %dma_wait3A_10 = arith.constant 0 : i32
    %dma_wait3A_11 = tpu.memref_slice %arg7[%dma_wait3A, %dma_wait3A_10] : memref<600x128xf32, #tpu.memory_space<vmem>> -> memref<200x128xf32, #tpu.memory_space<vmem>>
    %dma_wait3A_12 = arith.constant 0 : i32
    %dma_wait3A_13 = arith.constant 0 : i32
    %dma_wait3A_14 = tpu.memref_slice %arg4[%dma_wait3A_12, %dma_wait3A_13] : memref<819200x128xf32, #tpu.memory_space<hbm>> -> memref<200x128xf32, #tpu.memory_space<hbm>>
    %dma_wait3A_15 = arith.constant 0 : i32
    %dma_wait3A_16 = arith.constant 0 : i32
    %dma_wait3A_17 = tpu.memref_slice %arg4[%dma_wait3A_15, %dma_wait3A_16] : memref<819200x128xf32, #tpu.memory_space<hbm>> -> memref<200x128xf32, #tpu.memory_space<hbm>>
    %dma_wait3A_18 = arith.constant 0 : i32
    %dma_wait3A_19 = arith.constant 0 : i32
    %dma_wait3A_20 = tpu.memref_slice %arg7[%dma_wait3A_18, %dma_wait3A_19] : memref<600x128xf32, #tpu.memory_space<vmem>> -> memref<200x128xf32, #tpu.memory_space<vmem>>
    tpu.wait_dma2 semaphore(%arg10 : memref<!tpu.dma_semaphore, #tpu.memory_space<semaphore_mem>>) src(%dma_wait3A_20 : memref<200x128xf32, #tpu.memory_space<vmem>>) dst(%dma_wait3A_17 : memref<200x128xf32, #tpu.memory_space<hbm>>)
    "tpu.region"() ({
      %run_scoped3A = tpu.sem_alloc : memref<!tpu.dma_semaphore, #tpu.memory_space<semaphore_mem>>
      %dma_start3A = arith.constant 0 : i32
      %dma_start3A_21 = tpu.memref_slice %arg5[%mul3A_2, %dma_start3A] : memref<4096x128xf32, #tpu.memory_space<hbm>> -> memref<128x128xf32, #tpu.memory_space<hbm>>
      %dma_start3A_22 = arith.constant 0 : i32
      %dma_start3A_23 = tpu.memref_slice %arg5[%mul3A_2, %dma_start3A_22] : memref<4096x128xf32, #tpu.memory_space<hbm>> -> memref<128x128xf32, #tpu.memory_space<hbm>>
      tpu.enqueue_dma source(%arg8 : memref<128x128xf32, #tpu.memory_space<vmem>>) target(%dma_start3A_23 : memref<128x128xf32, #tpu.memory_space<hbm>>) target_semaphore(%run_scoped3A : memref<!tpu.dma_semaphore, #tpu.memory_space<semaphore_mem>>)
      %dma_wait3A_24 = arith.constant 0 : i32
      %dma_wait3A_25 = tpu.memref_slice %arg5[%mul3A_2, %dma_wait3A_24] : memref<4096x128xf32, #tpu.memory_space<hbm>> -> memref<128x128xf32, #tpu.memory_space<hbm>>
      %dma_wait3A_26 = arith.constant 0 : i32
      %dma_wait3A_27 = tpu.memref_slice %arg5[%mul3A_2, %dma_wait3A_26] : memref<4096x128xf32, #tpu.memory_space<hbm>> -> memref<128x128xf32, #tpu.memory_space<hbm>>
      tpu.wait_dma2 semaphore(%run_scoped3A : memref<!tpu.dma_semaphore, #tpu.memory_space<semaphore_mem>>) src(%arg8 : memref<128x128xf32, #tpu.memory_space<vmem>>) dst(%dma_wait3A_27 : memref<128x128xf32, #tpu.memory_space<hbm>>)
      tpu.yield
    }) : () -> ()
    return
  }
}

</mosaic_0001>

<sc_bundles>
// kernel: kernel.3.cloned.1.call-start
scs
__scs_entry_jumppad:
0x0: {  	(pc) =	sbr.rel $0x88, $3  }
0x1: {  	(tag) =	ssettag $0x0;
	lr =	simm.s32 $0x1  }
0x2: {  	[smem:$0x3F9F] =	sst lr;
	_ =	strace $0xD0000000  }
0x3: {  	_ = 	snop  }
0x4: {  	_ = 	snop  }
0x5: {  	_ = 	snop  }
0x6: {  	_ = 	snop  }
0x7: {  	_ = 	snop  }
__scs_overlays_trampoline_lowered:
0x8: {  	[smem:$0x3FAE] =	sst s0  }
0x9: {  	[smem:$0x3FAF] =	sst s1  }
0xa: {  	[smem:$0x3FB0] =	sst s2  }
0xb: {  	[smem:$0x3FB1] =	sst s3  }
0xc: {  	[smem:$0x3FB2] =	sst s4  }
0xd: {  	[smem:$0x3FB3] =	sst s5  }
0xe: {  	[smem:$0x3FB4] =	sst s6  }
0xf: {  	[smem:$0x3FB5] =	sst s7  }
0x10: {  	[smem:$0x3FB6] =	sst s8  }
0x11: {  	[smem:$0x3FB7] =	sst s9;
	s0 =	simm.s32 @!p0 $0x0  }
0x12: {  	s1 =	sld [smem:$0x3F9D];
	s0 =	simm.s32 @p0 $0x1  }
0x13: {  	[smem:$0x3FB8] =	sst s0;
	s0 =	simm.s32 @!p1 $0x0  }
0x14: {  	s2 =	sld [smem:$0x3F9C];
	s0 =	simm.s32 @p1 $0x1  }
0x15: {  	[smem:$0x3FB9] =	sst s0;
	s0 =	simm.s32 @!p2 $0x0  }
0x16: {  	s3 =	sld [smem:$0x3FDB];
	s0 =	simm.s32 @p2 $0x1  }
0x17: {  	s4 =	simm.s32 $0x1BF5;
	[smem:$0x3FBB] =	sst s0  }
0x18: {  	s0 =	sld [smem:$0x3F9E];
	_ =	swait.ge [sflag:s4], $0x0  }
0x19: {  	s7 =	sld [smem:$0x3F9F]  }
0x1a: {  	s8 =	sadd.s32 $0xFFFFE003, lr  }
0x1b: {  	s9 =	sadd.s32 $0xFFFFFEF7, lr;
	s5 =	simm.s32 $0xFFFFFFFF;
	p2 =	slt.u32 s8, $0xFFFFF086  }
0x1c: {  	p1 =	slt.u32 s9, $0xF7A;
	s5 =	simm.s32 @!p2 $0x0  }
0x1d: {  	s5 =	simm.s32 @p1 $0x1;
	p0 =	seq.s32 s7, s2  }
0x1e: {  	s7 =	smul.u32 @!p0 $0xF7A, s2;
	p2 =	seq.s32 @!p0 s5, $0x0  }
0x1f: {  	s9 =	smul.u32 $0xF7A, s1;
	s8 =	simm.s32 @!p0 $0x1BF5;
	p2 =	por !p2, p0  }
0x20: {  	[sflag:s8] =	ssyncset.s32 @!p0 $0xFFFFF086;
	s6 =	sadd.s32 @!p0 s3, s7;
	s7 =	simm.s32 @!p0 $0x108  }
0x21: {  	s3 =	sadd.s32 s3, s9;
	s6 =	sadd.s32 @!p0 $0x88, s6;
	s7 =	simm.s32 @p2 $0x1082  }
0x22: {  	[simem:s7], [sflag:s8] =	dma.local @!p0 [hbm:s6], $0xF7A  }
0x23: {  	s9 =	sor.u32 $0xD0000000, s2;
	s6 =	simm.s32 $0x108;
	_ =	swait.ge @!p0 [sflag:s8], $0x0  }
0x24: {  	s3 =	sadd.s32 $0x88, s3;
	s6 =	simm.s32 @!p1 $0x1082;
	[sflag:s4] =	ssyncset.s32 $0xFFFFF086  }
0x25: {  	[simem:s6], [sflag:s4] =	dma.local [hbm:s3], $0xF7A  }
0x26: {  	[smem:$0x3F9F] =	sst s1;
	(tag) =	ssettag s2;
	_ =	strace s9  }
0x27: {  	s1 =	sld [smem:$0x3FAF]  }
0x28: {  	s2 =	sld [smem:$0x3FB0]  }
0x29: {  	s4 =	sld [smem:$0x3FB2]  }
0x2a: {  	p0 =	seq.s32 s5, $0x0;
	s5 =	sld [smem:$0x3FB3]  }
0x2b: {  	s6 =	sld [smem:$0x3FB4]  }
0x2c: {  	s7 =	sld [smem:$0x3FB5]  }
0x2d: {  	s3 =	simm.s32 $0x108;
	s8 =	sld [smem:$0x3FB6]  }
0x2e: {  	s3 =	simm.s32 @!p0 $0x1082;
	s9 =	sld [smem:$0x3FB7]  }
0x2f: {  	lr =	sadd.s32 s0, s3;
	s0 =	sld [smem:$0x3FAE]  }
0x30: {  	s3 =	sld [smem:$0x3FB1]  }
0x31: {  	[smem:$0x3FBA] =	sst s10  }
0x32: {  	s10 =	sld [smem:$0x3FB8];
	_ =	sdelay $0x3  }
0x33: {  	p0 =	seq.s32 s10, $0x1;
	s10 =	sld [smem:$0x3FBA];
	_ =	sdelay $0x3  }
0x34: {  	[smem:$0x3FBA] =	sst s10  }
0x35: {  	s10 =	sld [smem:$0x3FB9];
	_ =	sdelay $0x3  }
0x36: {  	p1 =	seq.s32 s10, $0x1;
	s10 =	sld [smem:$0x3FBA];
	_ =	sdelay $0x3  }
0x37: {  	[smem:$0x3FBA] =	sst s10  }
0x38: {  	s10 =	sld [smem:$0x3FBB]  }
0x39: {  	_ = 	snop;
	(pc) =	sbr.ind lr, $3  }
0x3a: {  	_ = 	snop  }
0x3b: {  	_ = 	snop  }
0x3c: {  	p2 =	seq.s32 s10, $0x1;
	s10 =	sld [smem:$0x3FBA]  }
0x3d: {  	_ =	shalt  }
0x3e: {  	_ =	shalt  }
0x3f: {  	_ =	shalt  }
0x40: {  	_ =	shalt  }
0x41: {  	_ =	shalt  }
0x42: {  	_ =	shalt  }
0x43: {  	_ =	shalt  }
0x44: {  	_ =	shalt  }
0x45: {  	_ =	shalt  }
0x46: {  	_ =	shalt  }
0x47: {  	_ =	shalt  }
0x48: {  	_ =	shalt  }
0x49: {  	_ =	shalt  }
0x4a: {  	_ =	shalt  }
0x4b: {  	_ =	shalt  }
0x4c: {  	_ =	shalt  }
0x4d: {  	_ =	shalt  }
0x4e: {  	_ =	shalt  }
0x4f: {  	_ =	shalt  }
0x50: {  	_ =	shalt  }
0x51: {  	_ =	shalt  }
0x52: {  	_ =	shalt  }
0x53: {  	_ =	shalt  }
0x54: {  	_ =	shalt  }
0x55: {  	_ =	shalt  }
0x56: {  	_ =	shalt  }
0x57: {  	_ =	shalt  }
0x58: {  	_ =	shalt  }
0x59: {  	_ =	shalt  }
0x5a: {  	_ =	shalt  }
0x5b: {  	_ =	shalt  }
0x5c: {  	_ =	shalt  }
0x5d: {  	_ =	shalt  }
0x5e: {  	_ =	shalt  }
0x5f: {  	_ =	shalt  }
0x60: {  	_ =	shalt  }
0x61: {  	_ =	shalt  }
0x62: {  	_ =	shalt  }
0x63: {  	_ =	shalt  }
0x64: {  	_ =	shalt  }
0x65: {  	_ =	shalt  }
0x66: {  	_ =	shalt  }
0x67: {  	_ =	shalt  }
0x68: {  	_ =	shalt  }
0x69: {  	_ =	shalt  }
0x6a: {  	_ =	shalt  }
0x6b: {  	_ =	shalt  }
0x6c: {  	_ =	shalt  }
0x6d: {  	_ =	shalt  }
0x6e: {  	_ =	shalt  }
0x6f: {  	_ =	shalt  }
0x70: {  	_ =	shalt  }
0x71: {  	_ =	shalt  }
0x72: {  	_ =	shalt  }
0x73: {  	_ =	shalt  }
0x74: {  	_ =	shalt  }
0x75: {  	_ =	shalt  }
0x76: {  	_ =	shalt  }
0x77: {  	_ =	shalt  }
0x78: {  	_ =	shalt  }
0x79: {  	_ =	shalt  }
0x7a: {  	_ =	shalt  }
0x7b: {  	_ =	shalt  }
0x7c: {  	_ =	shalt  }
0x7d: {  	_ =	shalt  }
0x7e: {  	_ =	shalt  }
0x7f: {  	_ =	shalt  }
0x80: {  	_ =	shalt  }
0x81: {  	_ =	shalt  }
0x82: {  	_ =	shalt  }
0x83: {  	_ =	shalt  }
0x84: {  	_ =	shalt  }
0x85: {  	_ =	shalt  }
0x86: {  	_ =	shalt  }
0x87: {  	_ =	shalt  }
.Lfunc_end0:
.L_simem_size_0:
called_computation_lowered:
.L_overlay_start_0:
0x88: {  	s2 =	sld [smem:$0x3FD9]  }
0x89: {  	s3 =	sld [smem:$0x3FFE];
	_ =	sdelay $0x1  }
0x8a: {  	s1 =	srdreg.scid  }
0x8b: {  	s0 =	sand.u32 $0x1, s1  }
0x8c: {  	s14 =	sshll.u32 s0, $0xA;
	s2 =	sadd.s32 s3, s2  }
0x8d: {  	s2 =	sadd.s32 s2, s14  }
0x8e: {  	[smem:$0x3FC6] =	sst s2  }
0x8f: {  	_ = 	snop  }
0x90: {  	s2 =	sld [smem:$0x3FD0];
	_ =	sdelay $0x2  }
0x91: {  	s15 =	simm.s32 $0xA;
	s4 =	simm.s32 $0x10  }
0x92: {  	[smem:s4], [sflag:s15] =	dma.local [hbm:s2], $0x1  }
0x93: {  	_ =	swait.eq [sflag:s15], $0x1  }
0x94: {  	[sflag:s15] =	ssyncset.done $0x0  }
0x95: {  	s16 =	sld [smem:$0x10];
	[sflag:s15] =	ssyncadd.s32 $0xFFFFFFFF  }
0x96: {  	s17 =	sld [smem:$0x11];
	(tm) =	ssettm $0x1  }
0x97: {  	s18 =	sld [smem:$0x3FFB];
	_ =	sdelay $0x3  }
0x98: {  	_ =	strace s18  }
0x99: {  	s4 =	sld [smem:$0x3FFC];
	_ =	sdelay $0x3  }
0x9a: {  	_ =	strace s4  }
0x9b: {  	s4 =	sld [smem:$0x3FFD];
	_ =	sdelay $0x3  }
0x9c: {  	_ =	strace s4  }
0x9d: {  	_ =	strace $0x8FFFFFFF  }
0x9e: {  	s19 =	sld [smem:$0x3FDB];
	_ =	sdelay $0x1  }
0x9f: {  	s5 =	simm.s32 $_scs_section_size  }
0xa0: {  	s6 =	simm.s32 $_size__tile_overlayer_lowered;
	s7 =	simm.s32 $_tile_overlayer_lowered  }
0xa1: {  	s22 =	simm.s32 $0x1BFF;
	s21 =	sshll.u32 s7, $0x1;
	s4 =	sadd.s32 s5, s19  }
0xa2: {  	s8 =	simm.s32 $0x0;
	s20 =	sshll.u32 s6, $0x1;
	s6 =	sadd.s32 s21, s4  }
0xa3: {  	[timem:s8], [sflag:s22] =	dma.local [hbm:s6], s20  }
0xa4: {  	_ =	swait.ge [sflag:s22], s20  }
0xa5: {  	s5 =	ssub.s32 $0x0, s20;
	[sflag:s22] =	ssyncset.done $0x0  }
0xa6: {  	[sflag:s22] =	ssyncadd.s32 s5;
	_ =	sdelay $0x1  }
0xa7: {  	s23 =	simm.s32 $0x1B8B  }
0xa8: {  	_ =	swait.ge [sflag:s23], $0x1  }
0xa9: {  	[sflag:s23] =	ssyncset.done $0x0  }
0xaa: {  	s25 =	simm.s32 $0x1B8E;
	s24 =	sld [smem:$0x3FFE];
	[sflag:s23] =	ssyncadd.s32 $0xFFFFFFFF  }
0xab: {  	s26 =	simm.s32 $execute0_lowered;
	[smem:$0x3FD2] =	sst s25  }
0xac: {  	s6 =	sshll.u32 s26, $0x1;
	_ =	strace $0x80000046;
	[dreg:$0x1] =	wrdreg $0xFFFFFFFF  }
0xad: {  	s28 =	simm.s32 $_size_execute0_lowered;
	s4 =	sadd.s32 s4, s6;
	[dreg:$0x0] =	wrdreg $0x0  }
0xae: {  	s6 =	sshll.u32 s28, $0x1;
	[dreg:$0x2] =	wrdreg s4  }
0xaf: {  	[dreg:$0x3] =	wrdreg s6  }
0xb0: {  	[dreg:$0x4] =	wrdreg $0xC0  }
0xb1: {  	_ =	task [dreg:s8], $0x5FFFF  }
0xb2: {  	[dreg:$0x1] =	wrdreg $0xFFFFFFFF  }
0xb3: {  	[dreg:$0x0] =	wrdreg $0x60  }
0xb4: {  	[dreg:$0x2] =	wrdreg s24  }
0xb5: {  	[dreg:$0x3] =	wrdreg s17  }
0xb6: {  	[dreg:$0x4] =	wrdreg s16  }
0xb7: {  	[dreg:$0x5] =	wrdreg $0x9  }
0xb8: {  	_ =	task.clear_ibuf [dreg:s8], $0x6FFFF;
	_ =	strace $0x90000046  }
0xb9: {  	s29 =	simm.s32 $0x9;
	_ =	strace $0x80000048  }
0xba: {  	_ =	swait.ge [sflag:s29], $0x1  }
0xbb: {  	[sflag:s29] =	ssyncadd.s32 $0xFFFFFFFF  }
0xbc: {  	_ =	strace $0x90000048  }
0xbd: {  	_ =	sfence  }
0xbe: {  	s30 =	sld [smem:$0x0];
	_ =	sdelay $0x2  }
0xbf: {  	s31 =	sshll.u32 s1, $0xD;
	s1 =	sshrl.u32 s1, $0x2  }
0xc0: {  	s3 =	sand.u32 $0x4000, s31;
	s1 =	sadd.s32 s1, s30  }
0xc1: {  	s0 =	sor.u32 s3, s0;
	s1 =	sshll.u32 s1, $0x11  }
0xc2: {  	s0 =	sor.u32 s1, s0  }
0xc3: {  	s0 =	sadd.s32 $0x8F2B, s0  }
0xc4: {  	[sflag:s0] =	ssyncadd.remote.s32 $0x1  }
0xc5: {  	_ =	sfence.sel $0xFFFF  }
0xc6: {  	[dreg:$0x0] =	wrdreg $0xFFFFFFFF;
	(pc) =	sbr.abs _section_cstart, $3  }
0xc7: {  	[dreg:$0x1] =	wrdreg $0xFFFFFFFF  }
0xc8: {  	_ =	task.clear_ibuf [dreg:s8], $0x2FFFF;
	_ =	strace $0x9FFFFFFF  }
0xc9: {  	(tm) =	ssettm $0x7FFFFFFF  }
tec
execute0_lowered:
.L_overlay_start_1:
0x0: {  	(tag) =	ssettag $0x1  }
0x1: {  	s3 =	rddreg [dreg:$0x0]  }
0x2: {  	s5 =	rddreg [dreg:$0x1]  }
0x3: {  	s4 =	rddreg [dreg:$0x2]  }
0x4: {  	s0 =	rddreg [dreg:$0x3];
	s6 =	srdreg.scid  }
0x5: {  	s1 =	stileid.u32;
	s2 =	simm.s32 $0x0;
	s6 =	sand.u32 $0x1, s6  }
0x6: {  	s7 =	sshll.u32 s1, $0x1;
	[smem:$0x7FF] =	sst s2;
	s10 =	smul.u32 $0xC8000, s1  }
0x7: {  	s7 =	sor.u32 s6, s7;
	_ =	strace $0x80000047;
	s9 =	ssub.s32 $0x2, s6  }
0x8: {  	s6 =	smul.u32 $0x64000, s6;
	s8 =	sshll.u32 s7, $0xC;
	s30 =	sshrl.u32 s9, $0x1  }
0x9: {  	s7 =	sshll.u32 s7, $0xB;
	s31 =	sadd.s32 s10, s5;
	s10 =	simm.s32 $0x0  }
0xa: {  	s3 =	sadd.s32 s8, s3;
	s8 =	ssub.s32 s9, s30;
	s4 =	sadd.s32 s4, s7  }
0xb: {  	s6 =	sadd.s32 s6, s31;
	s7 =	simm.s32 $0x2;
	s9 =	simm.s32 $0x1AC00  }
0xc: {  	s3 =	sadd.s32 $0x800, s3;
	s5 =	smax.u32 s8, $0x1;
	s8 =	simm.s32 $0x1  }
.LBB2_1:
0xd: {  	s11 =	smul.u32 $0xAB, s2  }
0xe: {  	[tilespmem:s2], [sflag:$0x2] =	stream.linear.gather [hbm4b:s3+s2], $0x8000, $0x38;
	[tilespmem:$0x1EC00] =	vst v63  }
0xf: {  	s11 =	sshrl.u32 s11, $0x9  }
0x10: {  	s11 =	sand.u32 $0x7F, s11  }
0x11: {  	p0 =	por $0x1, $0x1;
	s11 =	smul.u32 $0x3, s11  }
0x12: {  	s12 =	simm.s32 $0x1;
	_ =	swait.ge [sflag:s7], $0x8000;
	s13 =	simm.s32 @!p0 $0x1  }
0x13: {  	s12 =	smul.u32 $0xAB, s12;
	[sflag:s7] =	ssyncset.done $0x0;
	s11 =	ssub.s32 $0x0, s11  }
0x14: {  	p1 =	por p0, p0;
	[sflag:s7] =	ssyncadd.s32 $0xFFFF8000;
	s11 =	sand.u32 $0xFF, s11  }
0x15: {  	s12 =	sshrl.u32 s12, $0x9;
	_ =	swait.ge @!p0 [sflag:s13], $0x6400;
	s11 =	smul.u32 $0x19000, s11  }
0x16: {  	p0 =	por $0x0, $0x0;
	s12 =	sand.u32 $0x7F, s12;
	[sflag:s13] =	ssyncset.done @!p1 $0x0  }
0x17: {  	s14 =	smul.u32 $0x3, s12;
	s12 =	simm.s32 @!p0 $0x1;
	s11 =	sshrl.u32 s11, $0x2  }
0x18: {  	[sflag:s13] =	ssyncadd.s32 @!p1 $0xFFFF9C00;
	s13 =	simm.s32 $0x2;
	s11 =	sadd.s32 $0x8000, s11  }
0x19: {  	[hbm4b:s6+s2] =	stream.linear.scatter [tilespmem:s11], [sflag:$0x1], $0x6400, $0x38;
	[tilespmem:$0x1EC00] =	vst v63  }
0x1a: {  	s14 =	ssub.s32 $0x1, s14;
	s11 =	smov.u32 s6;
	_ =	swait.ge @!p0 [sflag:s12], $0x6400  }
.LBB2_2:
0x1b: {  	s15 =	smul.u32 $0xAB, s13;
	s14 =	sand.u32 $0xFF, s14;
	s16 =	smov.u32 s13  }
0x1c: {  	s13 =	sadd.s32 $0x1, s13;
	p2 =	por p0, p0;
	s11 =	sadd.s32 $0xC80, s11  }
0x1d: {  	p0 =	seq.s32 s16, $0x0;
	p1 =	sne.s32 s13, $0x80;
	s14 =	smul.u32 $0x19000, s14  }
.Ltmp0:
0x1e: {  	s15 =	sshrl.u32 s15, $0x9;
	s17 =	simm.s32 @!p0 $0x1;
	(pc) =	sbr.rel @p1 .LBB2_2-.Ltmp0, $4  }
0x1f: {  	s15 =	sand.u32 $0x7F, s15;
	[sflag:s12] =	ssyncset.done @!p2 $0x0;
	s14 =	sshrl.u32 s14, $0x2  }
0x20: {  	s15 =	smul.u32 $0x3, s15;
	[sflag:s12] =	ssyncadd.s32 @!p2 $0xFFFF9C00;
	s12 =	sadd.s32 $0x8000, s14  }
0x21: {  	[hbm4b:s11+s2] =	stream.linear.scatter [tilespmem:s12], [sflag:$0x1], $0x6400, $0x38;
	[tilespmem:$0x1EC00] =	vst v63  }
0x22: {  	s12 =	smov.u32 s17;
	s14 =	ssub.s32 s16, s15;
	_ =	swait.ge @!p0 [sflag:s17], $0x6400  }
0x23: {  	s13 =	sand.u32 $0xFF, s14  }
0x24: {  	s13 =	smul.u32 $0x19000, s13  }
0x25: {  	p0 =	por p0, p0  }
0x26: {  	[sflag:s12] =	ssyncset.done @!p0 $0x0;
	s13 =	sshrl.u32 s13, $0x2  }
0x27: {  	s11 =	sadd.s32 $0xC80, s11;
	[sflag:s12] =	ssyncadd.s32 @!p0 $0xFFFF9C00;
	s31 =	sadd.s32 $0x8000, s13  }
0x28: {  	[hbm4b:s11+s2] =	stream.linear.scatter [tilespmem:s31], [sflag:$0x1], $0x6400, $0x38;
	[tilespmem:$0x1EC00] =	vst v63  }
0x29: {  	s10 =	sadd.s32 $0x1, s10;
	_ =	swait.ge [sflag:s8], $0x6400  }
0x2a: {  	p0 =	sne.s32 s10, s5;
	[sflag:s8] =	ssyncset.done $0x0  }
.Ltmp1:
0x2b: {  	[sflag:s8] =	ssyncadd.s32 $0xFFFF9C00;
	(pc) =	sbr.rel @p0 .LBB2_1-.Ltmp1, $4  }
0x2c: {  	[hbm4b:s4+s2] =	stream.linear.scatter [tilespmem:s9], [sflag:$0x2], $0x4000, $0x38;
	[tilespmem:$0x1EC00] =	vst v63  }
0x2d: {  	_ =	swait.ge [sflag:s7], $0x4000  }
0x2e: {  	[sflag:s7] =	ssyncset.done $0x0  }
0x2f: {  	[sflag:s7] =	ssyncadd.s32 $0xFFFFC000  }
0x30: {  	_ =	sfence.sel $0x180000  }
0x31: {  	[bflag:$0x0] =	sbarrier.arrive $0xFFFF  }
0x32: {  	p0 =	sne.s32 s1, $0x0;
	_ =	strace $0x90000047  }
0x33: {  	s0 =	sadd.s32 @!p0 $0x100000, s0;
	[bflag:$0x2] =	sbarrier.arrive $0xFFFF  }
0x34: {  	[sflag:s0] =	ssyncadd.tile.s32 @!p0 $0x1;
	_ =	shalt  }
.Lfunc_end2:
_tile_overlayer_lowered:
.L_overlay_start_2:
0x35: {  	(tag) =	ssettag $0x2  }
0x36: {  	s0 =	rddreg [dreg:$0x0];
	s2 =	stileid.u32  }
0x37: {  	s1 =	rddreg [dreg:$0x1];
	p0 =	sne.s32 s2, $0x0  }
0x38: {  	s3 =	rddreg [dreg:$0x2];
	[bflag:$0x3] =	sbarrier.arrive $0xFFFF;
	s2 =	simm.s32 @!p0 $0x1C02  }
0x39: {  	[timem:s3], [sflag:s2] =	dma.local @!p0 [hbm:s0], s1  }
0x3a: {  	s0 =	simm.s32 @!p0 $0x2  }
0x3b: {  	_ =	swait.ge @!p0 [sflag:s0], s1  }
0x3c: {  	s1 =	ssub.s32 @!p0 $0x0, s1;
	[sflag:s0] =	ssyncset.done @!p0 $0x0  }
0x3d: {  	[sflag:s0] =	ssyncadd.s32 @!p0 s1  }
0x3e: {  	[bflag:$0x3] =	sbarrier.arrive $0xFFFF  }
0x3f: {  	_ =	shalt  }

</sc_bundles>
